<compile_context>
chip_gen: v7x
topology: tpu7x:2x2x1
jax: 0.10.2.dev20260603
libtpu: 0.0.44.dev20260713+nightly
codegen_flags: <defaults>
</compile_context>

<pallas_src>
import functools

import jax
import jax.numpy as jnp
from jax import lax
from jax.experimental import pallas as pl
from jax.experimental.pallas import tpu as pltpu
from jax.experimental.pallas import tpu_sc as plsc

N_NODES = 100000
N_EDGES = 6400000
N_SLABS = 1

NC = 2
NS = 16
L = 16
NW = NC * NS

E_W = N_EDGES // N_SLABS // NW
CHUNK = 2000
N_CHUNKS = E_W // CHUNK
GROUPS = CHUNK // L
UNROLL = 10


@functools.partial(
    pl.kernel,
    out_type=jax.ShapeDtypeStruct((NW, N_NODES), jnp.float32),
    mesh=plsc.VectorSubcoreMesh(core_axis_name="c", subcore_axis_name="s"),
    compiler_params=pltpu.CompilerParams(needs_layout_passes=False),
    scratch_types=[
        pltpu.VMEM((CHUNK,), jnp.int32),
        pltpu.VMEM((CHUNK,), jnp.int32),
        pltpu.VMEM((CHUNK,), jnp.int32),
        pltpu.VMEM((CHUNK,), jnp.int32),
        pltpu.VMEM((CHUNK,), jnp.float32),
        pltpu.VMEM((CHUNK,), jnp.float32),
        pltpu.VMEM((N_NODES,), jnp.float32),
        pltpu.SemaphoreType.DMA,
        pltpu.SemaphoreType.DMA,
    ],
)
def _scatter_kernel(src_hbm, dst_hbm, val_hbm, out_hbm, sbuf0, sbuf1,
                    dbuf0, dbuf1, vbuf0, vbuf1, acc, sem0, sem1):
    wid = lax.axis_index("s") * NC + lax.axis_index("c")
    sems = (sem0, sem1)
    sbufs = (sbuf0, sbuf1)
    dbufs = (dbuf0, dbuf1)
    vbufs = (vbuf0, vbuf1)
    base = wid * E_W

    def start_fetch(c, slot):
        off = base + c * CHUNK
        pltpu.async_copy(src_hbm.at[pl.ds(off, CHUNK)], sbufs[slot], sems[slot])
        pltpu.async_copy(dst_hbm.at[pl.ds(off, CHUNK)], dbufs[slot], sems[slot])
        pltpu.async_copy(val_hbm.at[pl.ds(off, CHUNK)], vbufs[slot], sems[slot])

    def wait_fetch(c, slot):
        off = base + c * CHUNK
        pltpu.make_async_copy(src_hbm.at[pl.ds(off, CHUNK)], sbufs[slot], sems[slot]).wait()
        pltpu.make_async_copy(dst_hbm.at[pl.ds(off, CHUNK)], dbufs[slot], sems[slot]).wait()
        pltpu.make_async_copy(val_hbm.at[pl.ds(off, CHUNK)], vbufs[slot], sems[slot]).wait()

    def process(slot):
        @plsc.parallel_loop(0, GROUPS, unroll=UNROLL)
        def _groups(i):
            sl = pl.ds(i * L, L)
            s = sbufs[slot][sl]
            d = dbufs[slot][sl]
            v = vbufs[slot][sl]
            plsc.addupdate_scatter(acc, [s], v)
            plsc.addupdate_scatter(acc, [d], -v)

    start_fetch(0, 0)

    @plsc.parallel_loop(0, N_NODES // L, unroll=4)
    def _zero(i):
        acc[pl.ds(i * L, L)] = jnp.zeros((L,), jnp.float32)

    def ring_body(c2, carry):
        c = c2 * 2
        start_fetch(c + 1, 1)
        wait_fetch(c, 0)
        process(0)

        @pl.when(c + 2 < N_CHUNKS)
        def _():
            start_fetch(c + 2, 0)

        wait_fetch(c + 1, 1)
        process(1)
        return carry

    lax.fori_loop(0, N_CHUNKS // 2, ring_body, 0)

    pltpu.sync_copy(acc, out_hbm.at[wid])


def kernel(flow):
    half = N_EDGES // N_SLABS
    arrs = []
    for h in range(N_SLABS):
        slab = flow[h * half:(h + 1) * half]
        src = slab[:, 0].astype(jnp.int32)
        dst = slab[:, 1].astype(jnp.int32)
        val = slab[:, 2]
        partials = _scatter_kernel(src, dst, val)
        arrs.append(partials)
    stacked = arrs[0] if len(arrs) == 1 else jnp.concatenate(arrs, axis=0)
    net = lax.optimization_barrier(jnp.sum(stacked, axis=0))
    return jnp.sum(net)

# --- scband reference (transcript-rebuilt; emitter-appended) ---
"""Pipeline reference for scband-mass-conservation-loss-87290915324264 (READ-ONLY COPY).

The authoritative reference and input builder live on the scoring server;
editing this copy changes nothing except your own understanding.
"""

import jax, jax.numpy as jnp
import numpy as np

N_NODES = 100000
N_EDGES = 6400000

def setup_inputs(seed: int = 0) -> dict:
    key = jax.random.key(seed)
    # flow[:, 0] = src node id, flow[:, 1] = dst node id, flow[:, 2] = flow value
    flow = jax.random.randint(key, (N_EDGES, 3), 0, N_NODES).astype(jnp.float32)
    return {"flow": flow}

def reference(flow):
    # Faithful vectorized translation of the python-dict loop:
    # nodes[src] += f, nodes[dst] -= f, then sum over all touched nodes.
    # Nodes never touched contribute exactly 0, so summing over the full
    # node range [0, N_NODES) is mathematically identical to summing over
    # unique(flow[:, :-1]).
    src = flow[:, 0].astype(jnp.int32)
    dst = flow[:, 1].astype(jnp.int32)
    vals = flow[:, 2]
    net = jax.ops.segment_sum(vals, src, num_segments=N_NODES) - jax.ops.segment_sum(vals, dst, num_segments=N_NODES)
    return jnp.sum(net)

if __name__ == "__main__":
    import jax
    _d = setup_inputs()
    print(jax.jit(kernel)(*tuple(_d.values())))

</pallas_src>

<mosaic_0001>
#map = affine_map<(d0, d1) -> (0)>
#map1 = affine_map<(d0, d1) -> (0, 0)>
module attributes {stable_mosaic.version = 14 : i64} {
  func.func @_scatter_kernel(%arg0: i32, %arg1: i32, %arg2: memref<6400000xi32, #tpu.memory_space<hbm>>, %arg3: memref<6400000xi32, #tpu.memory_space<hbm>>, %arg4: memref<6400000xf32, #tpu.memory_space<hbm>>, %arg5: memref<32x100000xf32, #tpu.memory_space<hbm>>, %arg6: memref<2000xi32, #tpu.memory_space<vmem>>, %arg7: memref<2000xi32, #tpu.memory_space<vmem>>, %arg8: memref<2000xi32, #tpu.memory_space<vmem>>, %arg9: memref<2000xi32, #tpu.memory_space<vmem>>, %arg10: memref<2000xf32, #tpu.memory_space<vmem>>, %arg11: memref<2000xf32, #tpu.memory_space<vmem>>, %arg12: memref<100000xf32, #tpu.memory_space<vmem>>, %arg13: memref<!tpu.dma_semaphore, #tpu.memory_space<semaphore_mem>>, %arg14: memref<!tpu.dma_semaphore, #tpu.memory_space<semaphore_mem>>) attributes {dimension_semantics = [#tpu.dimension_semantics<core_parallel>, #tpu.dimension_semantics<subcore_parallel>], iteration_bounds = array<i64: 2, 16>, scalar_prefetch = 0 : i64, scratch_operands = 9 : i64, tpu.core_type = #tpu.core_type<sc_vector_subcore>, window_params = [{transform_indices = #map}, {transform_indices = #map}, {transform_indices = #map}, {transform_indices = #map1}]} {
    %mul3A = arith.constant 2 : i32
    %mul3A_0 = arith.muli %arg1, %mul3A : i32
    %add3A = arith.addi %mul3A_0, %arg0 : i32
    %mul3A_1 = arith.constant 200000 : i32
    %mul3A_2 = arith.muli %add3A, %mul3A_1 : i32
    %add3A_3 = arith.constant 0 : i32
    %add3A_4 = arith.addi %mul3A_2, %add3A_3 : i32
    %dma_start3A = tpu.memref_slice %arg2[%add3A_4] : memref<6400000xi32, #tpu.memory_space<hbm>> -> memref<2000xi32, #tpu.memory_space<hbm>>
    %dma_start3A_5 = tpu.memref_slice %arg2[%add3A_4] : memref<6400000xi32, #tpu.memory_space<hbm>> -> memref<2000xi32, #tpu.memory_space<hbm>>
    tpu.enqueue_dma source(%dma_start3A_5 : memref<2000xi32, #tpu.memory_space<hbm>>) target(%arg6 : memref<2000xi32, #tpu.memory_space<vmem>>) target_semaphore(%arg13 : memref<!tpu.dma_semaphore, #tpu.memory_space<semaphore_mem>>)
    %dma_start3A_6 = tpu.memref_slice %arg3[%add3A_4] : memref<6400000xi32, #tpu.memory_space<hbm>> -> memref<2000xi32, #tpu.memory_space<hbm>>
    %dma_start3A_7 = tpu.memref_slice %arg3[%add3A_4] : memref<6400000xi32, #tpu.memory_space<hbm>> -> memref<2000xi32, #tpu.memory_space<hbm>>
    tpu.enqueue_dma source(%dma_start3A_7 : memref<2000xi32, #tpu.memory_space<hbm>>) target(%arg8 : memref<2000xi32, #tpu.memory_space<vmem>>) target_semaphore(%arg13 : memref<!tpu.dma_semaphore, #tpu.memory_space<semaphore_mem>>)
    %dma_start3A_8 = tpu.memref_slice %arg4[%add3A_4] : memref<6400000xf32, #tpu.memory_space<hbm>> -> memref<2000xf32, #tpu.memory_space<hbm>>
    %dma_start3A_9 = tpu.memref_slice %arg4[%add3A_4] : memref<6400000xf32, #tpu.memory_space<hbm>> -> memref<2000xf32, #tpu.memory_space<hbm>>
    tpu.enqueue_dma source(%dma_start3A_9 : memref<2000xf32, #tpu.memory_space<hbm>>) target(%arg10 : memref<2000xf32, #tpu.memory_space<vmem>>) target_semaphore(%arg13 : memref<!tpu.dma_semaphore, #tpu.memory_space<semaphore_mem>>)
    %parallel_loop3A = arith.constant 0 : i32
    %parallel_loop3A_10 = arith.constant 6250 : i32
    %parallel_loop3A_11 = arith.constant 1 : i32
    scf.for %parallel_loop3A_17 = %parallel_loop3A to %parallel_loop3A_10 step %parallel_loop3A_11  : i32 {
      %parallel_loop3A_18 = arith.constant 0.000000e+00 : f32
      %parallel_loop3A_19 = vector.broadcast %parallel_loop3A_18 : f32 to vector<16xf32>
      %parallel_loop3A_20 = arith.constant 16 : i32
      %parallel_loop3A_21 = arith.muli %parallel_loop3A_17, %parallel_loop3A_20 : i32
      %parallel_loop3A_22 = arith.index_cast %parallel_loop3A_21 : i32 to index
      %parallel_loop3A_23 = tpu.vector_load %arg12[%parallel_loop3A_22] {strides = array<i32>} : memref<100000xf32, #tpu.memory_space<vmem>>, vector<16xf32>,
      tpu.vector_store %arg12[%parallel_loop3A_22], %parallel_loop3A_19 {strides = array<i32>} : memref<100000xf32, #tpu.memory_space<vmem>>, vector<16xf32>,
    } {sc.loop_unroll_factor = 4 : i64, sc.parallel_access}
    %scan3A = arith.constant 0 : i32
    %scan3A_12 = arith.constant 0 : i32
    %scan3A_13 = arith.constant 50 : i32
    %scan3A_14 = arith.addi %scan3A_12, %scan3A_13 : i32
    %scan3A_15 = arith.constant 1 : i32
    scf.for %scan3A_17 = %scan3A_12 to %scan3A_14 step %scan3A_15  : i32 {
      %mul3A_18 = arith.constant 2 : i32
      %mul3A_19 = arith.muli %scan3A_17, %mul3A_18 : i32
      %add3A_20 = arith.constant 1 : i32
      %add3A_21 = arith.addi %mul3A_19, %add3A_20 : i32
      %mul3A_22 = arith.constant 2000 : i32
      %mul3A_23 = arith.muli %add3A_21, %mul3A_22 : i32
      %add3A_24 = arith.addi %mul3A_2, %mul3A_23 : i32
      %dma_start3A_25 = tpu.memref_slice %arg2[%add3A_24] : memref<6400000xi32, #tpu.memory_space<hbm>> -> memref<2000xi32, #tpu.memory_space<hbm>>
      %dma_start3A_26 = tpu.memref_slice %arg2[%add3A_24] : memref<6400000xi32, #tpu.memory_space<hbm>> -> memref<2000xi32, #tpu.memory_space<hbm>>
      tpu.enqueue_dma source(%dma_start3A_26 : memref<2000xi32, #tpu.memory_space<hbm>>) target(%arg7 : memref<2000xi32, #tpu.memory_space<vmem>>) target_semaphore(%arg14 : memref<!tpu.dma_semaphore, #tpu.memory_space<semaphore_mem>>)
      %dma_start3A_27 = tpu.memref_slice %arg3[%add3A_24] : memref<6400000xi32, #tpu.memory_space<hbm>> -> memref<2000xi32, #tpu.memory_space<hbm>>
      %dma_start3A_28 = tpu.memref_slice %arg3[%add3A_24] : memref<6400000xi32, #tpu.memory_space<hbm>> -> memref<2000xi32, #tpu.memory_space<hbm>>
      tpu.enqueue_dma source(%dma_start3A_28 : memref<2000xi32, #tpu.memory_space<hbm>>) target(%arg9 : memref<2000xi32, #tpu.memory_space<vmem>>) target_semaphore(%arg14 : memref<!tpu.dma_semaphore, #tpu.memory_space<semaphore_mem>>)
      %dma_start3A_29 = tpu.memref_slice %arg4[%add3A_24] : memref<6400000xf32, #tpu.memory_space<hbm>> -> memref<2000xf32, #tpu.memory_space<hbm>>
      %dma_start3A_30 = tpu.memref_slice %arg4[%add3A_24] : memref<6400000xf32, #tpu.memory_space<hbm>> -> memref<2000xf32, #tpu.memory_space<hbm>>
      tpu.enqueue_dma source(%dma_start3A_30 : memref<2000xf32, #tpu.memory_space<hbm>>) target(%arg11 : memref<2000xf32, #tpu.memory_space<vmem>>) target_semaphore(%arg14 : memref<!tpu.dma_semaphore, #tpu.memory_space<semaphore_mem>>)
      %mul3A_31 = arith.constant 2000 : i32
      %mul3A_32 = arith.muli %mul3A_19, %mul3A_31 : i32
      %add3A_33 = arith.addi %mul3A_2, %mul3A_32 : i32
      %dma_wait3A = tpu.memref_slice %arg2[%add3A_33] : memref<6400000xi32, #tpu.memory_space<hbm>> -> memref<2000xi32, #tpu.memory_space<hbm>>
      %dma_wait3A_34 = tpu.memref_slice %arg2[%add3A_33] : memref<6400000xi32, #tpu.memory_space<hbm>> -> memref<2000xi32, #tpu.memory_space<hbm>>
      tpu.wait_dma2 semaphore(%arg13 : memref<!tpu.dma_semaphore, #tpu.memory_space<semaphore_mem>>) src(%dma_wait3A_34 : memref<2000xi32, #tpu.memory_space<hbm>>) dst(%arg6 : memref<2000xi32, #tpu.memory_space<vmem>>)
      %dma_wait3A_35 = tpu.memref_slice %arg3[%add3A_33] : memref<6400000xi32, #tpu.memory_space<hbm>> -> memref<2000xi32, #tpu.memory_space<hbm>>
      %dma_wait3A_36 = tpu.memref_slice %arg3[%add3A_33] : memref<6400000xi32, #tpu.memory_space<hbm>> -> memref<2000xi32, #tpu.memory_space<hbm>>
      tpu.wait_dma2 semaphore(%arg13 : memref<!tpu.dma_semaphore, #tpu.memory_space<semaphore_mem>>) src(%dma_wait3A_36 : memref<2000xi32, #tpu.memory_space<hbm>>) dst(%arg8 : memref<2000xi32, #tpu.memory_space<vmem>>)
      %dma_wait3A_37 = tpu.memref_slice %arg4[%add3A_33] : memref<6400000xf32, #tpu.memory_space<hbm>> -> memref<2000xf32, #tpu.memory_space<hbm>>
      %dma_wait3A_38 = tpu.memref_slice %arg4[%add3A_33] : memref<6400000xf32, #tpu.memory_space<hbm>> -> memref<2000xf32, #tpu.memory_space<hbm>>
      tpu.wait_dma2 semaphore(%arg13 : memref<!tpu.dma_semaphore, #tpu.memory_space<semaphore_mem>>) src(%dma_wait3A_38 : memref<2000xf32, #tpu.memory_space<hbm>>) dst(%arg10 : memref<2000xf32, #tpu.memory_space<vmem>>)
      %parallel_loop3A_39 = arith.constant 0 : i32
      %parallel_loop3A_40 = arith.constant 125 : i32
      %parallel_loop3A_41 = arith.constant 1 : i32
      scf.for %parallel_loop3A_60 = %parallel_loop3A_39 to %parallel_loop3A_40 step %parallel_loop3A_41  : i32 {
        %parallel_loop3A_61 = arith.constant 16 : i32
        %parallel_loop3A_62 = arith.muli %parallel_loop3A_60, %parallel_loop3A_61 : i32
        %parallel_loop3A_63 = arith.index_cast %parallel_loop3A_62 : i32 to index
        %parallel_loop3A_64 = tpu.vector_load %arg6[%parallel_loop3A_63] {strides = array<i32>} : memref<2000xi32, #tpu.memory_space<vmem>>, vector<16xi32>,
        %parallel_loop3A_65 = arith.index_cast %parallel_loop3A_62 : i32 to index
        %parallel_loop3A_66 = tpu.vector_load %arg8[%parallel_loop3A_65] {strides = array<i32>} : memref<2000xi32, #tpu.memory_space<vmem>>, vector<16xi32>,
        %parallel_loop3A_67 = arith.index_cast %parallel_loop3A_62 : i32 to index
        %parallel_loop3A_68 = tpu.vector_load %arg10[%parallel_loop3A_67] {strides = array<i32>} : memref<2000xf32, #tpu.memory_space<vmem>>, vector<16xf32>,
        tpu.vector_store_idx %arg12[%parallel_loop3A_64], %parallel_loop3A_68 {add = true} : memref<100000xf32, #tpu.memory_space<vmem>>[vector<16xi32>], vector<16xf32>,
        %parallel_loop3A_69 = arith.constant 0.000000e+00 : f32
        %parallel_loop3A_70 = vector.broadcast %parallel_loop3A_69 : f32 to vector<16xf32>
        %parallel_loop3A_71 = arith.subf %parallel_loop3A_70, %parallel_loop3A_68 : vector<16xf32>
        tpu.vector_store_idx %arg12[%parallel_loop3A_66], %parallel_loop3A_71 {add = true} : memref<100000xf32, #tpu.memory_space<vmem>>[vector<16xi32>], vector<16xf32>,
      } {sc.loop_unroll_factor = 10 : i64, sc.parallel_access}
      %add3A_42 = arith.constant 2 : i32
      %add3A_43 = arith.addi %mul3A_19, %add3A_42 : i32
      %lt3A = arith.constant 100 : i32
      %lt3A_44 = arith.cmpi slt, %add3A_43, %lt3A : i32
      %convert_element_type3A = arith.extui %lt3A_44 : i1 to i32
      %cond3A = arith.constant 0 : i32
      %cond3A_45 = arith.cmpi ne, %convert_element_type3A, %cond3A : i32
      scf.if %cond3A_45 {
        %add3A_60 = arith.constant 2 : i32
        %add3A_61 = arith.addi %mul3A_19, %add3A_60 : i32
        %mul3A_62 = arith.constant 2000 : i32
        %mul3A_63 = arith.muli %add3A_61, %mul3A_62 : i32
        %add3A_64 = arith.addi %mul3A_2, %mul3A_63 : i32
        %dma_start3A_65 = tpu.memref_slice %arg2[%add3A_64] : memref<6400000xi32, #tpu.memory_space<hbm>> -> memref<2000xi32, #tpu.memory_space<hbm>>
        %dma_start3A_66 = tpu.memref_slice %arg2[%add3A_64] : memref<6400000xi32, #tpu.memory_space<hbm>> -> memref<2000xi32, #tpu.memory_space<hbm>>
        tpu.enqueue_dma source(%dma_start3A_66 : memref<2000xi32, #tpu.memory_space<hbm>>) target(%arg6 : memref<2000xi32, #tpu.memory_space<vmem>>) target_semaphore(%arg13 : memref<!tpu.dma_semaphore, #tpu.memory_space<semaphore_mem>>)
        %dma_start3A_67 = tpu.memref_slice %arg3[%add3A_64] : memref<6400000xi32, #tpu.memory_space<hbm>> -> memref<2000xi32, #tpu.memory_space<hbm>>
        %dma_start3A_68 = tpu.memref_slice %arg3[%add3A_64] : memref<6400000xi32, #tpu.memory_space<hbm>> -> memref<2000xi32, #tpu.memory_space<hbm>>
        tpu.enqueue_dma source(%dma_start3A_68 : memref<2000xi32, #tpu.memory_space<hbm>>) target(%arg8 : memref<2000xi32, #tpu.memory_space<vmem>>) target_semaphore(%arg13 : memref<!tpu.dma_semaphore, #tpu.memory_space<semaphore_mem>>)
        %dma_start3A_69 = tpu.memref_slice %arg4[%add3A_64] : memref<6400000xf32, #tpu.memory_space<hbm>> -> memref<2000xf32, #tpu.memory_space<hbm>>
        %dma_start3A_70 = tpu.memref_slice %arg4[%add3A_64] : memref<6400000xf32, #tpu.memory_space<hbm>> -> memref<2000xf32, #tpu.memory_space<hbm>>
        tpu.enqueue_dma source(%dma_start3A_70 : memref<2000xf32, #tpu.memory_space<hbm>>) target(%arg10 : memref<2000xf32, #tpu.memory_space<vmem>>) target_semaphore(%arg13 : memref<!tpu.dma_semaphore, #tpu.memory_space<semaphore_mem>>)
      } else {
      }
      %add3A_46 = arith.constant 1 : i32
      %add3A_47 = arith.addi %mul3A_19, %add3A_46 : i32
      %mul3A_48 = arith.constant 2000 : i32
      %mul3A_49 = arith.muli %add3A_47, %mul3A_48 : i32
      %add3A_50 = arith.addi %mul3A_2, %mul3A_49 : i32
      %dma_wait3A_51 = tpu.memref_slice %arg2[%add3A_50] : memref<6400000xi32, #tpu.memory_space<hbm>> -> memref<2000xi32, #tpu.memory_space<hbm>>
      %dma_wait3A_52 = tpu.memref_slice %arg2[%add3A_50] : memref<6400000xi32, #tpu.memory_space<hbm>> -> memref<2000xi32, #tpu.memory_space<hbm>>
      tpu.wait_dma2 semaphore(%arg14 : memref<!tpu.dma_semaphore, #tpu.memory_space<semaphore_mem>>) src(%dma_wait3A_52 : memref<2000xi32, #tpu.memory_space<hbm>>) dst(%arg7 : memref<2000xi32, #tpu.memory_space<vmem>>)
      %dma_wait3A_53 = tpu.memref_slice %arg3[%add3A_50] : memref<6400000xi32, #tpu.memory_space<hbm>> -> memref<2000xi32, #tpu.memory_space<hbm>>
      %dma_wait3A_54 = tpu.memref_slice %arg3[%add3A_50] : memref<6400000xi32, #tpu.memory_space<hbm>> -> memref<2000xi32, #tpu.memory_space<hbm>>
      tpu.wait_dma2 semaphore(%arg14 : memref<!tpu.dma_semaphore, #tpu.memory_space<semaphore_mem>>) src(%dma_wait3A_54 : memref<2000xi32, #tpu.memory_space<hbm>>) dst(%arg9 : memref<2000xi32, #tpu.memory_space<vmem>>)
      %dma_wait3A_55 = tpu.memref_slice %arg4[%add3A_50] : memref<6400000xf32, #tpu.memory_space<hbm>> -> memref<2000xf32, #tpu.memory_space<hbm>>
      %dma_wait3A_56 = tpu.memref_slice %arg4[%add3A_50] : memref<6400000xf32, #tpu.memory_space<hbm>> -> memref<2000xf32, #tpu.memory_space<hbm>>
      tpu.wait_dma2 semaphore(%arg14 : memref<!tpu.dma_semaphore, #tpu.memory_space<semaphore_mem>>) src(%dma_wait3A_56 : memref<2000xf32, #tpu.memory_space<hbm>>) dst(%arg11 : memref<2000xf32, #tpu.memory_space<vmem>>)
      %parallel_loop3A_57 = arith.constant 0 : i32
      %parallel_loop3A_58 = arith.constant 125 : i32
      %parallel_loop3A_59 = arith.constant 1 : i32
      scf.for %parallel_loop3A_60 = %parallel_loop3A_57 to %parallel_loop3A_58 step %parallel_loop3A_59  : i32 {
        %parallel_loop3A_61 = arith.constant 16 : i32
        %parallel_loop3A_62 = arith.muli %parallel_loop3A_60, %parallel_loop3A_61 : i32
        %parallel_loop3A_63 = arith.index_cast %parallel_loop3A_62 : i32 to index
        %parallel_loop3A_64 = tpu.vector_load %arg7[%parallel_loop3A_63] {strides = array<i32>} : memref<2000xi32, #tpu.memory_space<vmem>>, vector<16xi32>,
        %parallel_loop3A_65 = arith.index_cast %parallel_loop3A_62 : i32 to index
        %parallel_loop3A_66 = tpu.vector_load %arg9[%parallel_loop3A_65] {strides = array<i32>} : memref<2000xi32, #tpu.memory_space<vmem>>, vector<16xi32>,
        %parallel_loop3A_67 = arith.index_cast %parallel_loop3A_62 : i32 to index
        %parallel_loop3A_68 = tpu.vector_load %arg11[%parallel_loop3A_67] {strides = array<i32>} : memref<2000xf32, #tpu.memory_space<vmem>>, vector<16xf32>,
        tpu.vector_store_idx %arg12[%parallel_loop3A_64], %parallel_loop3A_68 {add = true} : memref<100000xf32, #tpu.memory_space<vmem>>[vector<16xi32>], vector<16xf32>,
        %parallel_loop3A_69 = arith.constant 0.000000e+00 : f32
        %parallel_loop3A_70 = vector.broadcast %parallel_loop3A_69 : f32 to vector<16xf32>
        %parallel_loop3A_71 = arith.subf %parallel_loop3A_70, %parallel_loop3A_68 : vector<16xf32>
        tpu.vector_store_idx %arg12[%parallel_loop3A_66], %parallel_loop3A_71 {add = true} : memref<100000xf32, #tpu.memory_space<vmem>>[vector<16xi32>], vector<16xf32>,
      } {sc.loop_unroll_factor = 10 : i64, sc.parallel_access}
    }
    %scan3A_16 = arith.constant 50 : i32
    "tpu.region"() ({
      %run_scoped3A = tpu.sem_alloc : memref<!tpu.dma_semaphore, #tpu.memory_space<semaphore_mem>>
      %dma_start3A_17 = arith.constant 0 : i32
      %dma_start3A_18 = tpu.memref_slice %arg5[%add3A, %dma_start3A_17] : memref<32x100000xf32, #tpu.memory_space<hbm>> -> memref<1x100000xf32, #tpu.memory_space<hbm>>
      %dma_start3A_19 = tpu.memref_squeeze %dma_start3A_18 : memref<1x100000xf32, #tpu.memory_space<hbm>> -> memref<100000xf32, #tpu.memory_space<hbm>>
      %dma_start3A_20 = arith.constant 0 : i32
      %dma_start3A_21 = tpu.memref_slice %arg5[%add3A, %dma_start3A_20] : memref<32x100000xf32, #tpu.memory_space<hbm>> -> memref<1x100000xf32, #tpu.memory_space<hbm>>
      %dma_start3A_22 = tpu.memref_squeeze %dma_start3A_21 : memref<1x100000xf32, #tpu.memory_space<hbm>> -> memref<100000xf32, #tpu.memory_space<hbm>>
      tpu.enqueue_dma source(%arg12 : memref<100000xf32, #tpu.memory_space<vmem>>) target(%dma_start3A_22 : memref<100000xf32, #tpu.memory_space<hbm>>) target_semaphore(%run_scoped3A : memref<!tpu.dma_semaphore, #tpu.memory_space<semaphore_mem>>)
      %dma_wait3A = arith.constant 0 : i32
      %dma_wait3A_23 = tpu.memref_slice %arg5[%add3A, %dma_wait3A] : memref<32x100000xf32, #tpu.memory_space<hbm>> -> memref<1x100000xf32, #tpu.memory_space<hbm>>
      %dma_wait3A_24 = tpu.memref_squeeze %dma_wait3A_23 : memref<1x100000xf32, #tpu.memory_space<hbm>> -> memref<100000xf32, #tpu.memory_space<hbm>>
      %dma_wait3A_25 = arith.constant 0 : i32
      %dma_wait3A_26 = tpu.memref_slice %arg5[%add3A, %dma_wait3A_25] : memref<32x100000xf32, #tpu.memory_space<hbm>> -> memref<1x100000xf32, #tpu.memory_space<hbm>>
      %dma_wait3A_27 = tpu.memref_squeeze %dma_wait3A_26 : memref<1x100000xf32, #tpu.memory_space<hbm>> -> memref<100000xf32, #tpu.memory_space<hbm>>
      tpu.wait_dma2 semaphore(%run_scoped3A : memref<!tpu.dma_semaphore, #tpu.memory_space<semaphore_mem>>) src(%arg12 : memref<100000xf32, #tpu.memory_space<vmem>>) dst(%dma_wait3A_27 : memref<100000xf32, #tpu.memory_space<hbm>>)
      tpu.yield
    }) : () -> ()
    return
  }
}

</mosaic_0001>

<sc_bundles>
// kernel: kernel.3.cloned.1.call-start
scs
__scs_entry_jumppad:
0x0: {  	(pc) =	sbr.rel $0x88, $3  }
0x1: {  	(tag) =	ssettag $0x0;
	lr =	simm.s32 $0x1  }
0x2: {  	[smem:$0x3FA0] =	sst lr;
	_ =	strace $0xD0000000  }
0x3: {  	_ = 	snop  }
0x4: {  	_ = 	snop  }
0x5: {  	_ = 	snop  }
0x6: {  	_ = 	snop  }
0x7: {  	_ = 	snop  }
__scs_overlays_trampoline_lowered:
0x8: {  	[smem:$0x3FAF] =	sst s0  }
0x9: {  	[smem:$0x3FB0] =	sst s1  }
0xa: {  	[smem:$0x3FB1] =	sst s2  }
0xb: {  	[smem:$0x3FB2] =	sst s3  }
0xc: {  	[smem:$0x3FB3] =	sst s4  }
0xd: {  	[smem:$0x3FB4] =	sst s5  }
0xe: {  	[smem:$0x3FB5] =	sst s6  }
0xf: {  	[smem:$0x3FB6] =	sst s7  }
0x10: {  	[smem:$0x3FB7] =	sst s8  }
0x11: {  	[smem:$0x3FB8] =	sst s9;
	s0 =	simm.s32 @!p0 $0x0  }
0x12: {  	s1 =	sld [smem:$0x3F9E];
	s0 =	simm.s32 @p0 $0x1  }
0x13: {  	[smem:$0x3FB9] =	sst s0;
	s0 =	simm.s32 @!p1 $0x0  }
0x14: {  	s2 =	sld [smem:$0x3F9D];
	s0 =	simm.s32 @p1 $0x1  }
0x15: {  	[smem:$0x3FBA] =	sst s0;
	s0 =	simm.s32 @!p2 $0x0  }
0x16: {  	s3 =	sld [smem:$0x3FDB];
	s0 =	simm.s32 @p2 $0x1  }
0x17: {  	s4 =	simm.s32 $0x1BF5;
	[smem:$0x3FBC] =	sst s0  }
0x18: {  	s0 =	sld [smem:$0x3F9F];
	_ =	swait.ge [sflag:s4], $0x0  }
0x19: {  	s7 =	sld [smem:$0x3FA0]  }
0x1a: {  	s8 =	sadd.s32 $0xFFFFE003, lr  }
0x1b: {  	s9 =	sadd.s32 $0xFFFFFEF7, lr;
	s5 =	simm.s32 $0xFFFFFFFF;
	p2 =	slt.u32 s8, $0xFFFFF086  }
0x1c: {  	p1 =	slt.u32 s9, $0xF7A;
	s5 =	simm.s32 @!p2 $0x0  }
0x1d: {  	s5 =	simm.s32 @p1 $0x1;
	p0 =	seq.s32 s7, s2  }
0x1e: {  	s7 =	smul.u32 @!p0 $0xF7A, s2;
	p2 =	seq.s32 @!p0 s5, $0x0  }
0x1f: {  	s9 =	smul.u32 $0xF7A, s1;
	s8 =	simm.s32 @!p0 $0x1BF5;
	p2 =	por !p2, p0  }
0x20: {  	[sflag:s8] =	ssyncset.s32 @!p0 $0xFFFFF086;
	s6 =	sadd.s32 @!p0 s3, s7;
	s7 =	simm.s32 @!p0 $0x108  }
0x21: {  	s3 =	sadd.s32 s3, s9;
	s6 =	sadd.s32 @!p0 $0x88, s6;
	s7 =	simm.s32 @p2 $0x1082  }
0x22: {  	[simem:s7], [sflag:s8] =	dma.local @!p0 [hbm:s6], $0xF7A  }
0x23: {  	s9 =	sor.u32 $0xD0000000, s2;
	s6 =	simm.s32 $0x108;
	_ =	swait.ge @!p0 [sflag:s8], $0x0  }
0x24: {  	s3 =	sadd.s32 $0x88, s3;
	s6 =	simm.s32 @!p1 $0x1082;
	[sflag:s4] =	ssyncset.s32 $0xFFFFF086  }
0x25: {  	[simem:s6], [sflag:s4] =	dma.local [hbm:s3], $0xF7A  }
0x26: {  	[smem:$0x3FA0] =	sst s1;
	(tag) =	ssettag s2;
	_ =	strace s9  }
0x27: {  	s1 =	sld [smem:$0x3FB0]  }
0x28: {  	s2 =	sld [smem:$0x3FB1]  }
0x29: {  	s4 =	sld [smem:$0x3FB3]  }
0x2a: {  	p0 =	seq.s32 s5, $0x0;
	s5 =	sld [smem:$0x3FB4]  }
0x2b: {  	s6 =	sld [smem:$0x3FB5]  }
0x2c: {  	s7 =	sld [smem:$0x3FB6]  }
0x2d: {  	s3 =	simm.s32 $0x108;
	s8 =	sld [smem:$0x3FB7]  }
0x2e: {  	s3 =	simm.s32 @!p0 $0x1082;
	s9 =	sld [smem:$0x3FB8]  }
0x2f: {  	lr =	sadd.s32 s0, s3;
	s0 =	sld [smem:$0x3FAF]  }
0x30: {  	s3 =	sld [smem:$0x3FB2]  }
0x31: {  	[smem:$0x3FBB] =	sst s10  }
0x32: {  	s10 =	sld [smem:$0x3FB9];
	_ =	sdelay $0x3  }
0x33: {  	p0 =	seq.s32 s10, $0x1;
	s10 =	sld [smem:$0x3FBB];
	_ =	sdelay $0x3  }
0x34: {  	[smem:$0x3FBB] =	sst s10  }
0x35: {  	s10 =	sld [smem:$0x3FBA];
	_ =	sdelay $0x3  }
0x36: {  	p1 =	seq.s32 s10, $0x1;
	s10 =	sld [smem:$0x3FBB];
	_ =	sdelay $0x3  }
0x37: {  	[smem:$0x3FBB] =	sst s10  }
0x38: {  	s10 =	sld [smem:$0x3FBC]  }
0x39: {  	_ = 	snop;
	(pc) =	sbr.ind lr, $3  }
0x3a: {  	_ = 	snop  }
0x3b: {  	_ = 	snop  }
0x3c: {  	p2 =	seq.s32 s10, $0x1;
	s10 =	sld [smem:$0x3FBB]  }
0x3d: {  	_ =	shalt  }
0x3e: {  	_ =	shalt  }
0x3f: {  	_ =	shalt  }
0x40: {  	_ =	shalt  }
0x41: {  	_ =	shalt  }
0x42: {  	_ =	shalt  }
0x43: {  	_ =	shalt  }
0x44: {  	_ =	shalt  }
0x45: {  	_ =	shalt  }
0x46: {  	_ =	shalt  }
0x47: {  	_ =	shalt  }
0x48: {  	_ =	shalt  }
0x49: {  	_ =	shalt  }
0x4a: {  	_ =	shalt  }
0x4b: {  	_ =	shalt  }
0x4c: {  	_ =	shalt  }
0x4d: {  	_ =	shalt  }
0x4e: {  	_ =	shalt  }
0x4f: {  	_ =	shalt  }
0x50: {  	_ =	shalt  }
0x51: {  	_ =	shalt  }
0x52: {  	_ =	shalt  }
0x53: {  	_ =	shalt  }
0x54: {  	_ =	shalt  }
0x55: {  	_ =	shalt  }
0x56: {  	_ =	shalt  }
0x57: {  	_ =	shalt  }
0x58: {  	_ =	shalt  }
0x59: {  	_ =	shalt  }
0x5a: {  	_ =	shalt  }
0x5b: {  	_ =	shalt  }
0x5c: {  	_ =	shalt  }
0x5d: {  	_ =	shalt  }
0x5e: {  	_ =	shalt  }
0x5f: {  	_ =	shalt  }
0x60: {  	_ =	shalt  }
0x61: {  	_ =	shalt  }
0x62: {  	_ =	shalt  }
0x63: {  	_ =	shalt  }
0x64: {  	_ =	shalt  }
0x65: {  	_ =	shalt  }
0x66: {  	_ =	shalt  }
0x67: {  	_ =	shalt  }
0x68: {  	_ =	shalt  }
0x69: {  	_ =	shalt  }
0x6a: {  	_ =	shalt  }
0x6b: {  	_ =	shalt  }
0x6c: {  	_ =	shalt  }
0x6d: {  	_ =	shalt  }
0x6e: {  	_ =	shalt  }
0x6f: {  	_ =	shalt  }
0x70: {  	_ =	shalt  }
0x71: {  	_ =	shalt  }
0x72: {  	_ =	shalt  }
0x73: {  	_ =	shalt  }
0x74: {  	_ =	shalt  }
0x75: {  	_ =	shalt  }
0x76: {  	_ =	shalt  }
0x77: {  	_ =	shalt  }
0x78: {  	_ =	shalt  }
0x79: {  	_ =	shalt  }
0x7a: {  	_ =	shalt  }
0x7b: {  	_ =	shalt  }
0x7c: {  	_ =	shalt  }
0x7d: {  	_ =	shalt  }
0x7e: {  	_ =	shalt  }
0x7f: {  	_ =	shalt  }
0x80: {  	_ =	shalt  }
0x81: {  	_ =	shalt  }
0x82: {  	_ =	shalt  }
0x83: {  	_ =	shalt  }
0x84: {  	_ =	shalt  }
0x85: {  	_ =	shalt  }
0x86: {  	_ =	shalt  }
0x87: {  	_ =	shalt  }
.Lfunc_end0:
.L_simem_size_0:
called_computation_lowered:
.L_overlay_start_0:
0x88: {  	s2 =	sld [smem:$0x3FD9]  }
0x89: {  	s3 =	sld [smem:$0x3FFE];
	_ =	sdelay $0x1  }
0x8a: {  	s1 =	srdreg.scid  }
0x8b: {  	s0 =	sand.u32 $0x1, s1  }
0x8c: {  	s16 =	sshll.u32 s0, $0xA;
	s2 =	sadd.s32 s3, s2  }
0x8d: {  	s2 =	sadd.s32 s2, s16  }
0x8e: {  	[smem:$0x3FC7] =	sst s2  }
0x8f: {  	_ = 	snop  }
0x90: {  	(tm) =	ssettm $0x1  }
0x91: {  	s17 =	sld [smem:$0x3FFB];
	_ =	sdelay $0x3  }
0x92: {  	_ =	strace s17  }
0x93: {  	s2 =	sld [smem:$0x3FFC];
	_ =	sdelay $0x3  }
0x94: {  	_ =	strace s2  }
0x95: {  	s2 =	sld [smem:$0x3FFD];
	_ =	sdelay $0x3  }
0x96: {  	_ =	strace s2  }
0x97: {  	_ =	strace $0x8FFFFFFF  }
0x98: {  	s18 =	sld [smem:$0x3FDB];
	_ =	sdelay $0x1  }
0x99: {  	s19 =	simm.s32 $_scs_section_size  }
0x9a: {  	s4 =	simm.s32 $_size__tile_overlayer_lowered;
	s5 =	simm.s32 $_tile_overlayer_lowered  }
0x9b: {  	s22 =	simm.s32 $0x1BFF;
	s21 =	sshll.u32 s5, $0x1;
	s2 =	sadd.s32 s19, s18  }
0x9c: {  	s6 =	simm.s32 $0x0;
	s20 =	sshll.u32 s4, $0x1;
	s4 =	sadd.s32 s21, s2  }
0x9d: {  	[timem:s6], [sflag:s22] =	dma.local [hbm:s4], s20  }
0x9e: {  	_ =	swait.ge [sflag:s22], s20  }
0x9f: {  	s3 =	ssub.s32 $0x0, s20;
	[sflag:s22] =	ssyncset.done $0x0  }
0xa0: {  	[sflag:s22] =	ssyncadd.s32 s3;
	_ =	sdelay $0x1  }
0xa1: {  	s23 =	simm.s32 $0x1B8B  }
0xa2: {  	_ =	swait.ge [sflag:s23], $0x1  }
0xa3: {  	[sflag:s23] =	ssyncset.done $0x0  }
0xa4: {  	s25 =	simm.s32 $0x1B8E;
	s24 =	sld [smem:$0x3FFE];
	[sflag:s23] =	ssyncadd.s32 $0xFFFFFFFF  }
0xa5: {  	s26 =	simm.s32 $execute0_lowered;
	[smem:$0x3FD2] =	sst s25  }
0xa6: {  	s4 =	sshll.u32 s26, $0x1;
	_ =	strace $0x80000046;
	[dreg:$0x1] =	wrdreg $0xFFFFFFFF  }
0xa7: {  	s28 =	simm.s32 $_size_execute0_lowered;
	s2 =	sadd.s32 s2, s4;
	[dreg:$0x0] =	wrdreg $0x0  }
0xa8: {  	s4 =	sshll.u32 s28, $0x1;
	[dreg:$0x2] =	wrdreg s2  }
0xa9: {  	[dreg:$0x3] =	wrdreg s4  }
0xaa: {  	[dreg:$0x4] =	wrdreg $0xC0  }
0xab: {  	_ =	task [dreg:s6], $0x5FFFF  }
0xac: {  	[dreg:$0x1] =	wrdreg $0xFFFFFFFF  }
0xad: {  	[dreg:$0x0] =	wrdreg $0x60  }
0xae: {  	[dreg:$0x2] =	wrdreg s24  }
0xaf: {  	[dreg:$0x3] =	wrdreg $0x9  }
0xb0: {  	_ =	task.clear_ibuf [dreg:s6], $0x4FFFF;
	_ =	strace $0x90000046  }
0xb1: {  	s29 =	simm.s32 $0x9;
	_ =	strace $0x80000048  }
0xb2: {  	_ =	swait.ge [sflag:s29], $0x1  }
0xb3: {  	[sflag:s29] =	ssyncadd.s32 $0xFFFFFFFF  }
0xb4: {  	_ =	strace $0x90000048  }
0xb5: {  	_ =	sfence  }
0xb6: {  	s30 =	sld [smem:$0x0];
	_ =	sdelay $0x2  }
0xb7: {  	s31 =	sshll.u32 s1, $0xD;
	s1 =	sshrl.u32 s1, $0x2  }
0xb8: {  	s3 =	sand.u32 $0x4000, s31;
	s1 =	sadd.s32 s1, s30  }
0xb9: {  	s0 =	sor.u32 s3, s0;
	s1 =	sshll.u32 s1, $0x11  }
0xba: {  	s0 =	sor.u32 s1, s0  }
0xbb: {  	s0 =	sadd.s32 $0x8F2B, s0  }
0xbc: {  	[sflag:s0] =	ssyncadd.remote.s32 $0x1  }
0xbd: {  	_ =	sfence.sel $0xFFFF  }
0xbe: {  	[dreg:$0x0] =	wrdreg $0xFFFFFFFF;
	(pc) =	sbr.abs _section_cstart, $3  }
0xbf: {  	[dreg:$0x1] =	wrdreg $0xFFFFFFFF  }
0xc0: {  	_ =	task.clear_ibuf [dreg:s6], $0x2FFFF;
	_ =	strace $0x9FFFFFFF  }
0xc1: {  	(tm) =	ssettm $0x7FFFFFFF  }
tec
execute0_lowered:
.L_overlay_start_1:
0x0: {  	(tag) =	ssettag $0x1  }
0x1: {  	s2 =	rddreg [dreg:$0x0];
	s0 =	srdreg.scid  }
0x2: {  	s4 =	stileid.u32;
	s3 =	simm.s32 $0x0;
	s14 =	simm.s32 $0x2000  }
0x3: {  	s15 =	simm.s32 $0x800;
	s16 =	simm.s32 $0x1800;
	s17 =	simm.s32 $0x2800  }
0x4: {  	s18 =	simm.s32 $0x1;
	s19 =	simm.s32 $0x3000;
	s20 =	simm.s32 $0x2  }
0x5: {  	s21 =	simm.s32 $0x80;
	s22 =	simm.s32 $0x400;
	s23 =	simm.s32 $0x3  }
0x6: {  	s24 =	simm.s32 $0x0;
	s0 =	sand.u32 $0x1, s0;
	[smem:$0x7FF] =	sst s3  }
0x7: {  	s1 =	sshll.u32 s4, $0x1;
	s4 =	sshrl.u32 s4, $0x2;
	_ =	strace $0x80000047  }
0x8: {  	s1 =	sor.u32 s0, s1;
	s6 =	smul.u32 $0xC3800, s4;
	s4 =	sadd.s32 $0x186C00, s2  }
0x9: {  	s0 =	ssub.s32 $0x2, s0;
	s5 =	sshll.u32 s1, $0x7;
	s1 =	smul.u32 $0x30D40, s1  }
0xa: {  	s31 =	sshrl.u32 s0, $0x1;
	s7 =	sand.u32 $0x380, s5;
	s5 =	sadd.s32 $0xC3600, s2  }
0xb: {  	s0 =	ssub.s32 s0, s31;
	s6 =	sor.u32 s6, s7;
	s8 =	sshrl.u32 s1, $0x3  }
0xc: {  	s9 =	sadd.s32 $0x7D0, s1;
	s10 =	sadd.s32 $0xFA0, s1;
	s6 =	sshrl.u32 s6, $0x3  }
0xd: {  	s12 =	smax.u32 s0, $0x1;
	s7 =	sadd.s32 s5, s8;
	s11 =	sadd.s32 s6, s2  }
0xe: {  	v0 =	vimm.f32 $0.0e+00;
	s6 =	sadd.s32 s4, s8;
	s8 =	sadd.s32 s2, s8;
	s11 =	sadd.s32 $0x24A200, s11  }
.LBB2_1:
0xf: {  	[tilespmem:s3], [sflag:$0x1] =	stream.linear.gather [hbm4b:s6+s3], $0x7D0, $0x38;
	[tilespmem:$0x1B700] =	vst v63  }
0x10: {  	s0 =	simm.s32 $0x1000  }
0x11: {  	[tilespmem:s0], [sflag:$0x1] =	stream.linear.gather [hbm4b:s7+s3], $0x7D0, $0x38;
	[tilespmem:$0x1B700] =	vst v63  }
0x12: {  	s0 =	simm.s32 $0x3020  }
0x13: {  	[tilespmem:s14], [sflag:$0x1] =	stream.linear.gather [hbm4b:s8+s3], $0x7D0, $0x38;
	[tilespmem:$0x1B700] =	vst v63  }
0x14: {  	[tilespmem:s0+$0xFFFFFFE0] =	vst v0  }
0x15: {  	[tilespmem:s0+$0x10] =	vst v0  }
0x16: {  	s1 =	simm.s32 $0x0;
	[tilespmem:s0+$0x0] =	vst v0  }
.LBB2_2:
0x17: {  	s1 =	sadd.s32 $0x4, s1  }
0x18: {  	[tilespmem:s0+$0xFFFFFFF0] =	vst v0;
	s0 =	sadd.s32 $0x40, s0;
	p0 =	slt.u32 s1, $0x1864  }
.Ltmp0:
0x19: {  	[tilespmem:s0+$0xFFFFFFE0] =	vst v0;
	(pc) =	sbr.rel @p0 .LBB2_2-.Ltmp0, $3  }
0x1a: {  	_ =	sdelay $0x1  }
0x1b: {  	[tilespmem:s0+$0x10] =	vst v0  }
0x1c: {  	[tilespmem:s0+$0x0] =	vst v0  }
0x1d: {  	[tilespmem:s0+$0xFFFFFFF0] =	vst v0;
	s25 =	simm.s32 $0x0;
	s0 =	simm.s32 $0x0  }
.LBB2_4:
0x1e: {  	p0 =	sne.s32 s0, $0x40  }
.Ltmp1:
0x1f: {  	_ = 	snop;
	(pc) =	sbr.rel @p0 .LBB2_4-.Ltmp1, $3  }
0x20: {  	_ =	sdelay $0x1  }
0x21: {  	s1 =	sshra.s32 s0, $0x2  }
0x22: {  	s0 =	sadd.s32 $0x40, s0;
	[tilespmem:s1+$0x1B680] =	vst v0  }
.LBB2_5:
0x23: {  	s26 =	smul.u32 $0xFA0, s25;
	_ =	sdelay $0x1  }
0x24: {  	s0 =	sadd.s32 s26, s9  }
0x25: {  	s0 =	sshrl.u32 s0, $0x3  }
0x26: {  	s28 =	simm.s32 $0x0;
	s1 =	sadd.s32 s4, s0  }
0x27: {  	[tilespmem:s15], [sflag:$0x2] =	stream.linear.gather [hbm4b:s1+s28], $0x7D0, $0x38;
	[tilespmem:$0x1B700] =	vst v63  }
0x28: {  	s13 =	sadd.s32 s5, s0  }
0x29: {  	[tilespmem:s16], [sflag:$0x2] =	stream.linear.gather [hbm4b:s13+s28], $0x7D0, $0x38;
	[tilespmem:$0x1B700] =	vst v63  }
0x2a: {  	s0 =	sadd.s32 s2, s0  }
0x2b: {  	[tilespmem:s17], [sflag:$0x2] =	stream.linear.gather [hbm4b:s0+s28], $0x7D0, $0x38;
	[tilespmem:$0x1B700] =	vst v63  }
0x2c: {  	_ =	swait.ge [sflag:s18], $0x7D0  }
0x2d: {  	[sflag:s18] =	ssyncset.done $0x0  }
0x2e: {  	[sflag:s18] =	ssyncadd.s32 $0xFFFFF830  }
0x2f: {  	_ =	swait.ge [sflag:s18], $0x7D0  }
0x30: {  	[sflag:s18] =	ssyncset.done $0x0  }
0x31: {  	[sflag:s18] =	ssyncadd.s32 $0xFFFFF830  }
0x32: {  	_ =	swait.ge [sflag:s18], $0x7D0  }
0x33: {  	[sflag:s18] =	ssyncset.done $0x0  }
0x34: {  	s0 =	simm.s32 $0x2050;
	[sflag:s18] =	ssyncadd.s32 $0xFFFFF830  }
0x35: {  	s29 =	simm.s32 $0x50;
	v1 =	vld [tilespmem:s0+$0x40]  }
0x36: {  	s30 =	simm.s32 $0x1050;
	v2 =	vld [tilespmem:s29+$0x40]  }
0x37: {  	s13 =	sand.u32 $0x7E0, s28;
	v3 =	vld [tilespmem:s30+$0x40]  }
0x38: {  	v4 =	vld [tilespmem:s13+$0x80]  }
0x39: {  	v5 =	vld [tilespmem:s13+$0x1080]  }
0x3a: {  	v6 =	vld [tilespmem:s13+$0x2080]  }
0x3b: {  	v7 =	vld [tilespmem:s0+$0xFFFFFFB0]  }
0x3c: {  	v8 =	vld [tilespmem:s0+$0xFFFFFFC0]  }
0x3d: {  	v9 =	vld [tilespmem:s0+$0xFFFFFFD0]  }
0x3e: {  	v58 =	vld [tilespmem:s0+$0x10]  }
0x3f: {  	v59 =	vld [tilespmem:s0+$0x20]  }
0x40: {  	v60 =	vld [tilespmem:s30+$0xFFFFFFB0]  }
0x41: {  	v61 =	vld [tilespmem:s29+$0xFFFFFFC0]  }
0x42: {  	v11 =	vld [tilespmem:s30+$0xFFFFFFC0]  }
0x43: {  	v12 =	vld [tilespmem:s29+$0xFFFFFFD0]  }
0x44: {  	v13 =	vld [tilespmem:s30+$0xFFFFFFD0]  }
0x45: {  	v14 =	vld [tilespmem:s29+$0xFFFFFFE0]  }
0x46: {  	v15 =	vld [tilespmem:s30+$0xFFFFFFE0]  }
0x47: {  	v16 =	vld [tilespmem:s29+$0xFFFFFFF0]  }
0x48: {  	v17 =	vld [tilespmem:s30+$0xFFFFFFF0]  }
0x49: {  	v18 =	vld [tilespmem:s29+$0x0]  }
0x4a: {  	v19 =	vld [tilespmem:s30+$0x0]  }
0x4b: {  	v20 =	vld [tilespmem:s29+$0x10]  }
0x4c: {  	v21 =	vld [tilespmem:s30+$0x10]  }
0x4d: {  	v25 =	vld [tilespmem:s29+$0xFFFFFFB0]  }
0x4e: {  	v22 =	vld [tilespmem:s29+$0x20]  }
0x4f: {  	v23 =	vld [tilespmem:s30+$0x20]  }
0x50: {  	[tilespmem:v2+s19+$0x0] =	vst.idx.add.f32.msk $0xffff, v1  }
0x51: {  	[tilespmem:v4+s19+$0x0] =	vst.idx.add.f32.msk $0xffff, v6  }
0x52: {  	v2 =	vld [tilespmem:s0+$0xFFFFFFF0]  }
0x53: {  	[tilespmem:v61+s19+$0x0] =	vst.idx.add.f32.msk $0xffff, v8  }
0x54: {  	[tilespmem:v12+s19+$0x0] =	vst.idx.add.f32.msk $0xffff, v9  }
0x55: {  	[tilespmem:v25+s19+$0x0] =	vst.idx.add.f32.msk $0xffff, v7  }
0x56: {  	v10 =	vsub.f32 $0.0e+00, v1;
	[tilespmem:v20+s19+$0x0] =	vst.idx.add.f32.msk $0xffff, v58  }
0x57: {  	[tilespmem:v22+s19+$0x0] =	vst.idx.add.f32.msk $0xffff, v59  }
0x58: {  	v1 =	vsub.f32 $0.0e+00, v6;
	[tilespmem:v3+s19+$0x0] =	vst.idx.add.f32.msk $0xffff, v10  }
0x59: {  	v3 =	vld [tilespmem:s0+$0x0]  }
0x5a: {  	v24 =	vsub.f32 $0.0e+00, v8;
	[tilespmem:v5+s19+$0x0] =	vst.idx.add.f32.msk $0xffff, v1  }
0x5b: {  	v62 =	vsub.f32 $0.0e+00, v9;
	v1 =	vld [tilespmem:s0+$0xFFFFFFE0]  }
0x5c: {  	[tilespmem:v11+s19+$0x0] =	vst.idx.add.f32.msk $0xffff, v24  }
0x5d: {  	[tilespmem:v13+s19+$0x0] =	vst.idx.add.f32.msk $0xffff, v62  }
0x5e: {  	[tilespmem:v16+s19+$0x0] =	vst.idx.add.f32.msk $0xffff, v2  }
0x5f: {  	v2 =	vsub.f32 $0.0e+00, v2;
	[tilespmem:v18+s19+$0x0] =	vst.idx.add.f32.msk $0xffff, v3  }
0x60: {  	v63 =	vsub.f32 $0.0e+00, v1;
	[tilespmem:v14+s19+$0x0] =	vst.idx.add.f32.msk $0xffff, v1;
	v1 =	vsub.f32 $0.0e+00, v7  }
0x61: {  	[tilespmem:v17+s19+$0x0] =	vst.idx.add.f32.msk $0xffff, v2  }
0x62: {  	[tilespmem:v60+s19+$0x0] =	vst.idx.add.f32.msk $0xffff, v1;
	v1 =	vsub.f32 $0.0e+00, v3  }
0x63: {  	v2 =	vsub.f32 $0.0e+00, v58;
	[tilespmem:v15+s19+$0x0] =	vst.idx.add.f32.msk $0xffff, v63  }
0x64: {  	[tilespmem:v19+s19+$0x0] =	vst.idx.add.f32.msk $0xffff, v1;
	v1 =	vsub.f32 $0.0e+00, v59  }
0x65: {  	[tilespmem:v21+s19+$0x0] =	vst.idx.add.f32.msk $0xffff, v2  }
0x66: {  	s31 =	simm.s32 $0x0;
	s1 =	simm.s32 $0x0;
	s0 =	simm.s32 $0x20F0;
	[tilespmem:v23+s19+$0x0] =	vst.idx.add.f32.msk $0xffff, v1  }
.LBB2_6:
0x67: {  	v1 =	vld [tilespmem:s0+$0x40];
	s29 =	sadd.s32 $0xA0, s29  }
0x68: {  	s30 =	sadd.s32 $0xA0, s30;
	s1 =	sadd.s32 $0xA0, s1;
	v2 =	vld [tilespmem:s29+$0x40]  }
0x69: {  	s13 =	sand.u32 $0x7E0, s1;
	v3 =	vld [tilespmem:s30+$0x40]  }
0x6a: {  	s31 =	sadd.s32 $0xA, s31;
	v4 =	vld [tilespmem:s13+$0x80]  }
0x6b: {  	p0 =	slt.u32 s31, $0x6E;
	v5 =	vld [tilespmem:s13+$0x1080]  }
0x6c: {  	v6 =	vld [tilespmem:s13+$0x2080]  }
0x6d: {  	v7 =	vld [tilespmem:s0+$0xFFFFFFB0]  }
0x6e: {  	v8 =	vld [tilespmem:s0+$0xFFFFFFC0]  }
0x6f: {  	v10 =	vsub.f32 $0.0e+00, v1;
	v9 =	vld [tilespmem:s0+$0xFFFFFFD0]  }
0x70: {  	[tilespmem:v2+s19+$0x0] =	vst.idx.add.f32.msk $0xffff, v1  }
0x71: {  	v1 =	vsub.f32 $0.0e+00, v6;
	[tilespmem:v3+s19+$0x0] =	vst.idx.add.f32.msk $0xffff, v10  }
0x72: {  	v2 =	vsub.f32 $0.0e+00, v7;
	[tilespmem:v4+s19+$0x0] =	vst.idx.add.f32.msk $0xffff, v6  }
0x73: {  	v3 =	vsub.f32 $0.0e+00, v8;
	[tilespmem:v5+s19+$0x0] =	vst.idx.add.f32.msk $0xffff, v1  }
0x74: {  	v1 =	vsub.f32 $0.0e+00, v9;
	v4 =	vld [tilespmem:s0+$0xFFFFFFE0]  }
0x75: {  	v5 =	vld [tilespmem:s0+$0xFFFFFFF0]  }
0x76: {  	v6 =	vld [tilespmem:s0+$0x0]  }
0x77: {  	v10 =	vld [tilespmem:s0+$0x10]  }
0x78: {  	v11 =	vld [tilespmem:s0+$0x20]  }
0x79: {  	v12 =	vld [tilespmem:s30+$0xFFFFFFB0];
	v13 =	vsub.f32 $0.0e+00, v4  }
0x7a: {  	v14 =	vld [tilespmem:s29+$0xFFFFFFC0];
	v15 =	vsub.f32 $0.0e+00, v5  }
0x7b: {  	v16 =	vld [tilespmem:s30+$0xFFFFFFC0];
	v17 =	vsub.f32 $0.0e+00, v6  }
0x7c: {  	v18 =	vld [tilespmem:s29+$0xFFFFFFD0];
	v19 =	vsub.f32 $0.0e+00, v10  }
0x7d: {  	v20 =	vld [tilespmem:s30+$0xFFFFFFD0];
	v21 =	vsub.f32 $0.0e+00, v11  }
0x7e: {  	v22 =	vld [tilespmem:s29+$0xFFFFFFE0]  }
0x7f: {  	v23 =	vld [tilespmem:s30+$0xFFFFFFE0]  }
0x80: {  	v24 =	vld [tilespmem:s29+$0xFFFFFFF0]  }
0x81: {  	v25 =	vld [tilespmem:s30+$0xFFFFFFF0]  }
0x82: {  	v26 =	vld [tilespmem:s29+$0x0]  }
0x83: {  	v27 =	vld [tilespmem:s30+$0x0]  }
0x84: {  	v28 =	vld [tilespmem:s29+$0x10]  }
0x85: {  	v29 =	vld [tilespmem:s30+$0x10]  }
0x86: {  	v30 =	vld [tilespmem:s29+$0x20]  }
0x87: {  	v31 =	vld [tilespmem:s30+$0x20]  }
0x88: {  	v32 =	vld [tilespmem:s29+$0xFFFFFFB0]  }
0x89: {  	[tilespmem:v14+s19+$0x0] =	vst.idx.add.f32.msk $0xffff, v8  }
0x8a: {  	[tilespmem:v16+s19+$0x0] =	vst.idx.add.f32.msk $0xffff, v3  }
0x8b: {  	[tilespmem:v18+s19+$0x0] =	vst.idx.add.f32.msk $0xffff, v9  }
0x8c: {  	[tilespmem:v20+s19+$0x0] =	vst.idx.add.f32.msk $0xffff, v1  }
0x8d: {  	[tilespmem:v22+s19+$0x0] =	vst.idx.add.f32.msk $0xffff, v4  }
0x8e: {  	[tilespmem:v23+s19+$0x0] =	vst.idx.add.f32.msk $0xffff, v13  }
0x8f: {  	[tilespmem:v24+s19+$0x0] =	vst.idx.add.f32.msk $0xffff, v5  }
0x90: {  	[tilespmem:v32+s19+$0x0] =	vst.idx.add.f32.msk $0xffff, v7  }
0x91: {  	[tilespmem:v12+s19+$0x0] =	vst.idx.add.f32.msk $0xffff, v2  }
0x92: {  	[tilespmem:v25+s19+$0x0] =	vst.idx.add.f32.msk $0xffff, v15  }
0x93: {  	[tilespmem:v26+s19+$0x0] =	vst.idx.add.f32.msk $0xffff, v6  }
.Ltmp2:
0x94: {  	[tilespmem:v27+s19+$0x0] =	vst.idx.add.f32.msk $0xffff, v17;
	(pc) =	sbr.rel @p0 .LBB2_6-.Ltmp2, $4  }
0x95: {  	[tilespmem:v28+s19+$0x0] =	vst.idx.add.f32.msk $0xffff, v10  }
0x96: {  	[tilespmem:v29+s19+$0x0] =	vst.idx.add.f32.msk $0xffff, v19  }
0x97: {  	[tilespmem:v30+s19+$0x0] =	vst.idx.add.f32.msk $0xffff, v11  }
0x98: {  	s0 =	sadd.s32 $0xA0, s0;
	[tilespmem:v31+s19+$0x0] =	vst.idx.add.f32.msk $0xffff, v21  }
.LBB2_7:
0x99: {  	s0 =	sshra.s32 s28, $0x2  }
0x9a: {  	v1 =	vld [tilespmem:s0+$0x780]  }
0x9b: {  	v2 =	vld [tilespmem:s0+$0x1780]  }
0x9c: {  	v3 =	vld [tilespmem:s0+$0x2780];
	_ =	sdelay $0x1  }
0x9d: {  	p0 =	sne.s32 s28, $0x100  }
.Ltmp3:
0x9e: {  	_ = 	snop;
	(pc) =	sbr.rel @p0 .LBB2_7-.Ltmp3, $4  }
0x9f: {  	_ = 	snop  }
0xa0: {  	v4 =	vsub.f32 $0.0e+00, v3  }
0xa1: {  	[tilespmem:v1+s19+$0x0] =	vst.idx.add.f32.msk $0xffff, v3  }
0xa2: {  	s28 =	sadd.s32 $0x40, s28;
	[tilespmem:v2+s19+$0x0] =	vst.idx.add.f32.msk $0xffff, v4  }
0xa3: {  	p0 =	seq.s32 s25, $0x31  }
0xa4: {  	s0 =	sadd.s32 @!p0 s26, s10  }
0xa5: {  	s0 =	sshrl.u32 @!p0 s0, $0x3  }
0xa6: {  	s13 =	simm.s32 @!p0 $0x0;
	s1 =	sadd.s32 @!p0 s4, s0  }
0xa7: {  	[tilespmem:s13], [sflag:$0x1] =	stream.linear.gather @!p0 [hbm4b:s1+s13], $0x7D0, $0x38;
	[tilespmem:$0x1B700] =	vst v63  }
0xa8: {  	s26 =	simm.s32 @!p0 $0x1000;
	s1 =	sadd.s32 @!p0 s5, s0  }
0xa9: {  	[tilespmem:s26], [sflag:$0x1] =	stream.linear.gather @!p0 [hbm4b:s1+s13], $0x7D0, $0x38;
	[tilespmem:$0x1B700] =	vst v63  }
0xaa: {  	s0 =	sadd.s32 @!p0 s2, s0;
	s1 =	simm.s32 @!p0 $0x2000  }
0xab: {  	[tilespmem:s1], [sflag:$0x1] =	stream.linear.gather @!p0 [hbm4b:s0+s13], $0x7D0, $0x38;
	[tilespmem:$0x1B700] =	vst v63  }
0xac: {  	_ =	swait.ge [sflag:s20], $0x7D0  }
0xad: {  	[sflag:s20] =	ssyncset.done $0x0  }
0xae: {  	[sflag:s20] =	ssyncadd.s32 $0xFFFFF830  }
0xaf: {  	_ =	swait.ge [sflag:s20], $0x7D0  }
0xb0: {  	[sflag:s20] =	ssyncset.done $0x0  }
0xb1: {  	[sflag:s20] =	ssyncadd.s32 $0xFFFFF830  }
0xb2: {  	_ =	swait.ge [sflag:s20], $0x7D0  }
0xb3: {  	[sflag:s20] =	ssyncset.done $0x0  }
0xb4: {  	s13 =	simm.s32 $0x2850;
	[sflag:s20] =	ssyncadd.s32 $0xFFFFF830  }
0xb5: {  	s28 =	simm.s32 $0x850;
	v1 =	vld [tilespmem:s13+$0x40]  }
0xb6: {  	s29 =	simm.s32 $0x1850;
	s26 =	simm.s32 $0x0;
	v2 =	vld [tilespmem:s28+$0x40]  }
0xb7: {  	s31 =	sand.u32 $0x7E0, s26;
	v3 =	vld [tilespmem:s29+$0x40]  }
0xb8: {  	v4 =	vld [tilespmem:s31+$0x880]  }
0xb9: {  	v5 =	vld [tilespmem:s31+$0x1880]  }
0xba: {  	v6 =	vld [tilespmem:s31+$0x2880]  }
0xbb: {  	v7 =	vld [tilespmem:s13+$0xFFFFFFB0]  }
0xbc: {  	v8 =	vld [tilespmem:s13+$0xFFFFFFC0]  }
0xbd: {  	v9 =	vld [tilespmem:s13+$0xFFFFFFD0]  }
0xbe: {  	v58 =	vld [tilespmem:s13+$0x10]  }
0xbf: {  	v59 =	vld [tilespmem:s13+$0x20]  }
0xc0: {  	v60 =	vld [tilespmem:s29+$0xFFFFFFB0]  }
0xc1: {  	v61 =	vld [tilespmem:s28+$0xFFFFFFC0]  }
0xc2: {  	v11 =	vld [tilespmem:s29+$0xFFFFFFC0]  }
0xc3: {  	v12 =	vld [tilespmem:s28+$0xFFFFFFD0]  }
0xc4: {  	v13 =	vld [tilespmem:s29+$0xFFFFFFD0]  }
0xc5: {  	v14 =	vld [tilespmem:s28+$0xFFFFFFE0]  }
0xc6: {  	v15 =	vld [tilespmem:s29+$0xFFFFFFE0]  }
0xc7: {  	v16 =	vld [tilespmem:s28+$0xFFFFFFF0]  }
0xc8: {  	v17 =	vld [tilespmem:s29+$0xFFFFFFF0]  }
0xc9: {  	v18 =	vld [tilespmem:s28+$0x0]  }
0xca: {  	v19 =	vld [tilespmem:s29+$0x0]  }
0xcb: {  	v20 =	vld [tilespmem:s28+$0x10]  }
0xcc: {  	v21 =	vld [tilespmem:s29+$0x10]  }
0xcd: {  	v25 =	vld [tilespmem:s28+$0xFFFFFFB0]  }
0xce: {  	v22 =	vld [tilespmem:s28+$0x20]  }
0xcf: {  	v23 =	vld [tilespmem:s29+$0x20]  }
0xd0: {  	[tilespmem:v2+s19+$0x0] =	vst.idx.add.f32.msk $0xffff, v1  }
0xd1: {  	[tilespmem:v4+s19+$0x0] =	vst.idx.add.f32.msk $0xffff, v6  }
0xd2: {  	v2 =	vld [tilespmem:s13+$0xFFFFFFF0]  }
0xd3: {  	[tilespmem:v61+s19+$0x0] =	vst.idx.add.f32.msk $0xffff, v8  }
0xd4: {  	[tilespmem:v12+s19+$0x0] =	vst.idx.add.f32.msk $0xffff, v9  }
0xd5: {  	[tilespmem:v25+s19+$0x0] =	vst.idx.add.f32.msk $0xffff, v7  }
0xd6: {  	v10 =	vsub.f32 $0.0e+00, v1;
	[tilespmem:v20+s19+$0x0] =	vst.idx.add.f32.msk $0xffff, v58  }
0xd7: {  	[tilespmem:v22+s19+$0x0] =	vst.idx.add.f32.msk $0xffff, v59  }
0xd8: {  	v1 =	vsub.f32 $0.0e+00, v6;
	[tilespmem:v3+s19+$0x0] =	vst.idx.add.f32.msk $0xffff, v10  }
0xd9: {  	v3 =	vld [tilespmem:s13+$0x0]  }
0xda: {  	v24 =	vsub.f32 $0.0e+00, v8;
	[tilespmem:v5+s19+$0x0] =	vst.idx.add.f32.msk $0xffff, v1  }
0xdb: {  	v62 =	vsub.f32 $0.0e+00, v9;
	v1 =	vld [tilespmem:s13+$0xFFFFFFE0]  }
0xdc: {  	[tilespmem:v11+s19+$0x0] =	vst.idx.add.f32.msk $0xffff, v24  }
0xdd: {  	[tilespmem:v13+s19+$0x0] =	vst.idx.add.f32.msk $0xffff, v62  }
0xde: {  	[tilespmem:v16+s19+$0x0] =	vst.idx.add.f32.msk $0xffff, v2  }
0xdf: {  	v2 =	vsub.f32 $0.0e+00, v2;
	[tilespmem:v18+s19+$0x0] =	vst.idx.add.f32.msk $0xffff, v3  }
0xe0: {  	v63 =	vsub.f32 $0.0e+00, v1;
	[tilespmem:v14+s19+$0x0] =	vst.idx.add.f32.msk $0xffff, v1;
	v1 =	vsub.f32 $0.0e+00, v7  }
0xe1: {  	[tilespmem:v17+s19+$0x0] =	vst.idx.add.f32.msk $0xffff, v2  }
0xe2: {  	[tilespmem:v60+s19+$0x0] =	vst.idx.add.f32.msk $0xffff, v1;
	v1 =	vsub.f32 $0.0e+00, v3  }
0xe3: {  	v2 =	vsub.f32 $0.0e+00, v58;
	[tilespmem:v15+s19+$0x0] =	vst.idx.add.f32.msk $0xffff, v63  }
0xe4: {  	[tilespmem:v19+s19+$0x0] =	vst.idx.add.f32.msk $0xffff, v1;
	v1 =	vsub.f32 $0.0e+00, v59  }
0xe5: {  	[tilespmem:v21+s19+$0x0] =	vst.idx.add.f32.msk $0xffff, v2  }
0xe6: {  	s30 =	simm.s32 $0x0;
	s0 =	simm.s32 $0x28F0;
	s1 =	simm.s32 $0x0;
	[tilespmem:v23+s19+$0x0] =	vst.idx.add.f32.msk $0xffff, v1  }
.LBB2_9:
0xe7: {  	v1 =	vld [tilespmem:s0+$0x40];
	s28 =	sadd.s32 $0xA0, s28  }
0xe8: {  	s29 =	sadd.s32 $0xA0, s29;
	s1 =	sadd.s32 $0xA0, s1;
	v2 =	vld [tilespmem:s28+$0x40]  }
0xe9: {  	s13 =	sand.u32 $0x7E0, s1;
	v3 =	vld [tilespmem:s29+$0x40]  }
0xea: {  	s30 =	sadd.s32 $0xA, s30;
	v4 =	vld [tilespmem:s13+$0x880]  }
0xeb: {  	p0 =	slt.u32 s30, $0x6E;
	v5 =	vld [tilespmem:s13+$0x1880]  }
0xec: {  	v6 =	vld [tilespmem:s13+$0x2880]  }
0xed: {  	v7 =	vld [tilespmem:s0+$0xFFFFFFB0]  }
0xee: {  	v8 =	vld [tilespmem:s0+$0xFFFFFFC0]  }
0xef: {  	v10 =	vsub.f32 $0.0e+00, v1;
	v9 =	vld [tilespmem:s0+$0xFFFFFFD0]  }
0xf0: {  	[tilespmem:v2+s19+$0x0] =	vst.idx.add.f32.msk $0xffff, v1  }
0xf1: {  	v1 =	vsub.f32 $0.0e+00, v6;
	[tilespmem:v3+s19+$0x0] =	vst.idx.add.f32.msk $0xffff, v10  }
0xf2: {  	v2 =	vsub.f32 $0.0e+00, v7;
	[tilespmem:v4+s19+$0x0] =	vst.idx.add.f32.msk $0xffff, v6  }
0xf3: {  	v3 =	vsub.f32 $0.0e+00, v8;
	[tilespmem:v5+s19+$0x0] =	vst.idx.add.f32.msk $0xffff, v1  }
0xf4: {  	v1 =	vsub.f32 $0.0e+00, v9;
	v4 =	vld [tilespmem:s0+$0xFFFFFFE0]  }
0xf5: {  	v5 =	vld [tilespmem:s0+$0xFFFFFFF0]  }
0xf6: {  	v6 =	vld [tilespmem:s0+$0x0]  }
0xf7: {  	v10 =	vld [tilespmem:s0+$0x10]  }
0xf8: {  	v11 =	vld [tilespmem:s0+$0x20]  }
0xf9: {  	v12 =	vld [tilespmem:s29+$0xFFFFFFB0];
	v13 =	vsub.f32 $0.0e+00, v4  }
0xfa: {  	v14 =	vld [tilespmem:s28+$0xFFFFFFC0];
	v15 =	vsub.f32 $0.0e+00, v5  }
0xfb: {  	v16 =	vld [tilespmem:s29+$0xFFFFFFC0];
	v17 =	vsub.f32 $0.0e+00, v6  }
0xfc: {  	v18 =	vld [tilespmem:s28+$0xFFFFFFD0];
	v19 =	vsub.f32 $0.0e+00, v10  }
0xfd: {  	v20 =	vld [tilespmem:s29+$0xFFFFFFD0];
	v21 =	vsub.f32 $0.0e+00, v11  }
0xfe: {  	v22 =	vld [tilespmem:s28+$0xFFFFFFE0]  }
0xff: {  	v23 =	vld [tilespmem:s29+$0xFFFFFFE0]  }
0x100: {  	v24 =	vld [tilespmem:s28+$0xFFFFFFF0]  }
0x101: {  	v25 =	vld [tilespmem:s29+$0xFFFFFFF0]  }
0x102: {  	v26 =	vld [tilespmem:s28+$0x0]  }
0x103: {  	v27 =	vld [tilespmem:s29+$0x0]  }
0x104: {  	v28 =	vld [tilespmem:s28+$0x10]  }
0x105: {  	v29 =	vld [tilespmem:s29+$0x10]  }
0x106: {  	v30 =	vld [tilespmem:s28+$0x20]  }
0x107: {  	v31 =	vld [tilespmem:s29+$0x20]  }
0x108: {  	v32 =	vld [tilespmem:s28+$0xFFFFFFB0]  }
0x109: {  	[tilespmem:v14+s19+$0x0] =	vst.idx.add.f32.msk $0xffff, v8  }
0x10a: {  	[tilespmem:v16+s19+$0x0] =	vst.idx.add.f32.msk $0xffff, v3  }
0x10b: {  	[tilespmem:v18+s19+$0x0] =	vst.idx.add.f32.msk $0xffff, v9  }
0x10c: {  	[tilespmem:v20+s19+$0x0] =	vst.idx.add.f32.msk $0xffff, v1  }
0x10d: {  	[tilespmem:v22+s19+$0x0] =	vst.idx.add.f32.msk $0xffff, v4  }
0x10e: {  	[tilespmem:v23+s19+$0x0] =	vst.idx.add.f32.msk $0xffff, v13  }
0x10f: {  	[tilespmem:v24+s19+$0x0] =	vst.idx.add.f32.msk $0xffff, v5  }
0x110: {  	[tilespmem:v32+s19+$0x0] =	vst.idx.add.f32.msk $0xffff, v7  }
0x111: {  	[tilespmem:v12+s19+$0x0] =	vst.idx.add.f32.msk $0xffff, v2  }
0x112: {  	[tilespmem:v25+s19+$0x0] =	vst.idx.add.f32.msk $0xffff, v15  }
0x113: {  	[tilespmem:v26+s19+$0x0] =	vst.idx.add.f32.msk $0xffff, v6  }
.Ltmp4:
0x114: {  	[tilespmem:v27+s19+$0x0] =	vst.idx.add.f32.msk $0xffff, v17;
	(pc) =	sbr.rel @p0 .LBB2_9-.Ltmp4, $4  }
0x115: {  	[tilespmem:v28+s19+$0x0] =	vst.idx.add.f32.msk $0xffff, v10  }
0x116: {  	[tilespmem:v29+s19+$0x0] =	vst.idx.add.f32.msk $0xffff, v19  }
0x117: {  	[tilespmem:v30+s19+$0x0] =	vst.idx.add.f32.msk $0xffff, v11  }
0x118: {  	s0 =	sadd.s32 $0xA0, s0;
	[tilespmem:v31+s19+$0x0] =	vst.idx.add.f32.msk $0xffff, v21  }
.LBB2_10:
0x119: {  	s0 =	sshra.s32 s26, $0x2  }
0x11a: {  	v1 =	vld [tilespmem:s0+$0xF80]  }
0x11b: {  	v2 =	vld [tilespmem:s0+$0x1F80]  }
0x11c: {  	v3 =	vld [tilespmem:s0+$0x2F80];
	_ =	sdelay $0x1  }
0x11d: {  	p0 =	sne.s32 s26, $0x100  }
.Ltmp5:
0x11e: {  	_ = 	snop;
	(pc) =	sbr.rel @p0 .LBB2_10-.Ltmp5, $4  }
0x11f: {  	_ = 	snop  }
0x120: {  	v4 =	vsub.f32 $0.0e+00, v3  }
0x121: {  	[tilespmem:v1+s19+$0x0] =	vst.idx.add.f32.msk $0xffff, v3  }
0x122: {  	s26 =	sadd.s32 $0x40, s26;
	[tilespmem:v2+s19+$0x0] =	vst.idx.add.f32.msk $0xffff, v4  }
0x123: {  	s25 =	sadd.s32 $0x1, s25  }
0x124: {  	p0 =	sne.s32 s25, $0x32  }
.Ltmp6:
0x125: {  	_ = 	snop;
	(pc) =	sbr.rel @p0 .LBB2_5-.Ltmp6, $1  }
0x126: {  	_ =	sdelay $0x3  }
0x127: {  	s24 =	sadd.s32 $0x1, s24  }
0x128: {  	p0 =	sne.s32 s24, s12  }
.Ltmp7:
0x129: {  	_ = 	snop;
	(pc) =	sbr.rel @p0 .LBB2_1-.Ltmp7, $4  }
0x12a: {  	[hbm4b:s11+s21] =	stream.strided.scatter [tilespmem:s19], [sflag:$0x3], $0x18700, s22, s21, $0x38;
	[tilespmem:$0x1B700] =	vst v63  }
0x12b: {  	_ =	swait.ge [sflag:s23], $0x18700  }
0x12c: {  	[sflag:s23] =	ssyncset.done $0x0  }
0x12d: {  	[sflag:s23] =	ssyncadd.s32 $0xFFFE7900  }
0x12e: {  	_ =	sfence.sel $0x180000  }
0x12f: {  	[bflag:$0x0] =	sbarrier.arrive $0xFFFF  }
0x130: {  	_ =	strace $0x90000047  }
0x131: {  	s0 =	stileid.u32;
	[bflag:$0x2] =	sbarrier.arrive $0xFFFF  }
0x132: {  	p0 =	sne.s32 s0, $0x0;
	s0 =	rddreg [dreg:$0x1]  }
0x133: {  	s0 =	sadd.s32 @!p0 $0x100000, s0  }
0x134: {  	[sflag:s0] =	ssyncadd.tile.s32 @!p0 $0x1;
	_ =	shalt  }
.Lfunc_end2:
_tile_overlayer_lowered:
.L_overlay_start_2:
0x135: {  	(tag) =	ssettag $0x2  }
0x136: {  	s0 =	rddreg [dreg:$0x0];
	s2 =	stileid.u32  }
0x137: {  	s1 =	rddreg [dreg:$0x1];
	p0 =	sne.s32 s2, $0x0  }
0x138: {  	s3 =	rddreg [dreg:$0x2];
	[bflag:$0x3] =	sbarrier.arrive $0xFFFF;
	s2 =	simm.s32 @!p0 $0x1C03  }
0x139: {  	[timem:s3], [sflag:s2] =	dma.local @!p0 [hbm:s0], s1  }
0x13a: {  	s0 =	simm.s32 @!p0 $0x3  }
0x13b: {  	_ =	swait.ge @!p0 [sflag:s0], s1  }
0x13c: {  	s1 =	ssub.s32 @!p0 $0x0, s1;
	[sflag:s0] =	ssyncset.done @!p0 $0x0  }
0x13d: {  	[sflag:s0] =	ssyncadd.s32 @!p0 s1  }
0x13e: {  	[bflag:$0x3] =	sbarrier.arrive $0xFFFF  }
0x13f: {  	_ =	shalt  }

</sc_bundles>
